<compile_context>
chip_gen: v7x
topology: tpu7x:2x2x1
jax: 0.10.2.dev20260603
libtpu: 0.0.44.dev20260713+nightly
codegen_flags: <defaults>
</compile_context>

<pallas_src>
import functools
import math

import jax
import jax.numpy as jnp
from jax import lax
from jax.experimental import pallas as pl
from jax.experimental.pallas import tpu as pltpu
from jax.experimental.pallas import tpu_sc as plsc

_BOUNDS = tuple(float(b) for b in range(1, 100, 10))
_INV_SQRT = 1.0 / math.sqrt(1.0 + 1e-3)
_ITEM_PAD = 128
_N_BUCKETS = 11

_T_CONTRACT = (((0,), (0,)), ((), ()))
_T_CONTRACT_R1 = (((0,), (1,)), ((), ()))
_HI = lax.Precision.HIGHEST


def _tdot(a, b, dims):
    return lax.dot_general(a, b, dims, precision=_HI,
                           preferred_element_type=jnp.float32)


def _prologue_body(price_hbm, item_hbm, pt_hbm, it_hbm, g1_hbm, be1_hbm,
                   w1_hbm, b1_hbm, g2_hbm, be2_hbm, w2_hbm, b2_hbm,
                   combo_ref, table_ref,
                   price_ref, item_ref, pt_ref, it_ref, g1_ref, be1_ref,
                   w1_ref, b1_ref, g2_ref, be2_ref, w2_ref, b2_ref, sem):
    pairs = [(price_hbm, price_ref), (item_hbm, item_ref), (pt_hbm, pt_ref),
             (it_hbm, it_ref), (g1_hbm, g1_ref), (be1_hbm, be1_ref),
             (w1_hbm, w1_ref), (b1_hbm, b1_ref), (g2_hbm, g2_ref),
             (be2_hbm, be2_ref), (w2_hbm, w2_ref), (b2_hbm, b2_ref)]
    copies = [pltpu.make_async_copy(s, d, sem) for s, d in pairs]
    for c in copies:
        c.start()
    for c in copies:
        c.wait()

    p = price_ref[...]
    bucket = jnp.zeros(p.shape, jnp.int32)
    for bound in _BOUNDS:
        bucket = bucket + jnp.where(p >= bound, 1, 0)
    combo_ref[...] = bucket * _ITEM_PAD + item_ref[...]

    n_items = it_ref.shape[0]
    w1 = w1_ref[...]
    g1 = g1_ref[...] * _INV_SQRT
    be1 = be1_ref[...]
    w1t, w1b = w1[:32, :], w1[32:, :]
    ptg = pt_ref[...] * g1[:, :32]
    d1a = jnp.dot(be1[:, :32], w1t, precision=_HI,
                  preferred_element_type=jnp.float32) + b1_ref[...]
    ptaug = jnp.concatenate(
        [ptg, jnp.ones((ptg.shape[0], 1), jnp.float32)], axis=1)
    w1taug = jnp.concatenate([w1t, d1a], axis=0)
    at = _tdot(w1taug, ptaug, _T_CONTRACT_R1)
    itg = it_ref[...] * g1[:, 32:]
    d1b = jnp.dot(be1[:, 32:], w1b, precision=_HI,
                  preferred_element_type=jnp.float32)
    itaug = jnp.concatenate(
        [itg, jnp.ones((n_items, 1), jnp.float32)], axis=1)
    w1baug = jnp.concatenate([w1b, d1b], axis=0)
    ct = _tdot(w1baug, itaug, _T_CONTRACT_R1)
    ct = jnp.concatenate(
        [ct, jnp.zeros((32, _ITEM_PAD - n_items), jnp.float32)], axis=1)

    w2 = w2_ref[...]
    g2 = g2_ref[...] * _INV_SQRT
    r32 = lax.broadcasted_iota(jnp.int32, (32, 32), 0)
    c32 = lax.broadcasted_iota(jnp.int32, (32, 32), 1)
    dg2 = jnp.where(r32 == c32, 1.0, 0.0) * g2
    w2s = jnp.dot(dg2, w2, precision=_HI,
                  preferred_element_type=jnp.float32)
    d2 = jnp.dot(be2_ref[...], w2, precision=_HI,
                 preferred_element_type=jnp.float32) + b2_ref[...]
    w2aug = jnp.concatenate([w2s, d2], axis=0)
    n_all = _N_BUCKETS * _ITEM_PAD
    ht = jnp.maximum(at[:, :, None] + ct[:, None, :], 0.0)
    htaug = jnp.concatenate(
        [ht.reshape(32, n_all), jnp.ones((1, n_all), jnp.float32)], axis=0)
    table_ref[...] = jnp.maximum(_tdot(w2aug, htaug, _T_CONTRACT), 0.0)


def _prologue(price, item, pt, it, g1r, be1r, w1, b1r, g2r, be2r, w2, b2r):
    any_spec = pl.BlockSpec(memory_space=pl.ANY)
    return pl.pallas_call(
        _prologue_body,
        in_specs=[any_spec] * 12,
        out_shape=(
            jax.ShapeDtypeStruct(price.shape, jnp.int32),
            jax.ShapeDtypeStruct((16, _N_BUCKETS * _ITEM_PAD), jnp.float32),
        ),
        scratch_shapes=[
            pltpu.VMEM(price.shape, jnp.float32),
            pltpu.VMEM(item.shape, jnp.int32),
            pltpu.VMEM(pt.shape, jnp.float32),
            pltpu.VMEM(it.shape, jnp.float32),
            pltpu.VMEM(g1r.shape, jnp.float32),
            pltpu.VMEM(be1r.shape, jnp.float32),
            pltpu.VMEM(w1.shape, jnp.float32),
            pltpu.VMEM(b1r.shape, jnp.float32),
            pltpu.VMEM(g2r.shape, jnp.float32),
            pltpu.VMEM(be2r.shape, jnp.float32),
            pltpu.VMEM(w2.shape, jnp.float32),
            pltpu.VMEM(b2r.shape, jnp.float32),
            pltpu.SemaphoreType.DMA,
        ],
    )(price, item, pt, it, g1r, be1r, w1, b1r, g2r, be2r, w2, b2r)


@functools.cache
def _make_sc_lookup(batch):
    info = plsc.get_sparse_core_info()
    n_workers = info.num_cores * info.num_subcores
    bpw = batch // n_workers
    n_combos = _N_BUCKETS * _ITEM_PAD
    mesh = plsc.VectorSubcoreMesh(core_axis_name="c", subcore_axis_name="s")

    half = batch // 2

    @functools.partial(
        pl.kernel,
        mesh=mesh,
        out_type=jax.ShapeDtypeStruct((16, batch), jnp.float32),
        compiler_params=pltpu.CompilerParams(needs_layout_passes=False),
        scratch_types=[
            pltpu.VMEM((half,), jnp.int32),
            pltpu.VMEM((1, n_combos), jnp.float32),
            pltpu.VMEM((1, half), jnp.float32),
            pltpu.SemaphoreType.DMA,
            pltpu.SemaphoreType.DMA,
        ],
    )
    def sc_lookup(combo_hbm, table_hbm, out_hbm,
                  combo_v, trow_v, rows_v, sem, tsem):
        wid = lax.axis_index("s") * info.num_cores + lax.axis_index("c")
        col = lax.rem(wid, 16)
        base = lax.div(wid, 16) * half
        tcopy = pltpu.async_copy(table_hbm.at[pl.ds(col, 1), :], trow_v, tsem)
        ccopy = pltpu.async_copy(combo_hbm.at[pl.ds(base, half)], combo_v, sem)
        ccopy.wait()
        tcopy.wait()
        zero16 = jnp.full((16,), 0, jnp.int32)

        def gather_group(g, carry):
            for j in range(8):
                b16 = g * 128 + j * 16
                combo = combo_v[pl.ds(b16, 16)]
                vals = plsc.load_gather(trow_v, [zero16, combo])
                rows_v[0, pl.ds(b16, 16)] = vals
            return carry

        lax.fori_loop(0, half // 128, gather_group, 0)
        pltpu.sync_copy(rows_v, out_hbm.at[pl.ds(col, 1), pl.ds(base, half)])

    return sc_lookup


def kernel(user_id, item_id, price, user_age, item_table, price_table,
           bn1_gamma, bn1_beta, W1, b1, bn2_gamma, bn2_beta, W2, b2):
    combo, table = _prologue(
        price, item_id, price_table, item_table,
        bn1_gamma.reshape(1, 64), bn1_beta.reshape(1, 64), W1,
        b1.reshape(1, 32), bn2_gamma.reshape(1, 32), bn2_beta.reshape(1, 32),
        W2, b2.reshape(1, 16))
    out_t = _make_sc_lookup(price.shape[0])(combo, table)
    return out_t.T

# --- scband reference (transcript-rebuilt; emitter-appended) ---
"""Pipeline reference for scband-item-tower-25460566130839 (READ-ONLY COPY).

The authoritative reference and input builder live on the scoring server;
editing this copy changes nothing except your own understanding.
"""

import jax, jax.numpy as jnp
import numpy as np

BOUNDARIES = jnp.asarray(np.arange(1, 100, 10), dtype=jnp.float32)  # 10 boundaries -> 11 buckets
BN_EPS = 1e-3


def setup_inputs(seed: int = 0) -> dict:
    key = jax.random.key(seed)
    ks = jax.random.split(key, 10)
    B = 16384
    inp = {}
    # forward inputs (per input_specs)
    inp["user_id"] = jax.random.randint(ks[0], (B,), 0, 1000000, dtype=jnp.int32)
    inp["item_id"] = jax.random.randint(ks[1], (B,), 0, 101, dtype=jnp.int32)
    inp["price"] = jax.random.uniform(ks[2], (B,), dtype=jnp.float32)
    inp["user_age"] = jax.random.uniform(ks[3], (B,), dtype=jnp.float32)
    # learned parameters
    inp["item_table"] = jax.random.normal(ks[4], (101, 32), dtype=jnp.float32) * 0.05
    inp["price_table"] = jax.random.normal(ks[5], (11, 32), dtype=jnp.float32) * 0.05
    inp["bn1_gamma"] = jnp.ones((64,), dtype=jnp.float32)
    inp["bn1_beta"] = jnp.zeros((64,), dtype=jnp.float32)
    inp["W1"] = jax.random.normal(ks[6], (64, 32), dtype=jnp.float32) * 0.05
    inp["b1"] = jnp.zeros((32,), dtype=jnp.float32)
    inp["bn2_gamma"] = jnp.ones((32,), dtype=jnp.float32)
    inp["bn2_beta"] = jnp.zeros((32,), dtype=jnp.float32)
    inp["W2"] = jax.random.normal(ks[7], (32, 16), dtype=jnp.float32) * 0.05
    inp["b2"] = jnp.zeros((16,), dtype=jnp.float32)
    return inp


def reference(user_id, item_id, price, user_age, item_table, price_table,
              bn1_gamma, bn1_beta, W1, b1, bn2_gamma, bn2_beta, W2, b2):
    # Discretization: bucketize price by boundaries [1, 11, ..., 91]
    price_bucket = jnp.digitize(price, BOUNDARIES)  # int buckets in [0, 10]
    # Embedding lookups (gather)
    price_emb = jnp.take(price_table, price_bucket, axis=0)  # [B, 32]
    item_emb = jnp.take(item_table, item_id, axis=0)         # [B, 32]
    feats = jnp.concatenate([price_emb, item_emb], axis=-1)  # [B, 64]
    # BatchNorm (inference mode: moving_mean=0, moving_var=1)
    x = feats / jnp.sqrt(1.0 + BN_EPS) * bn1_gamma + bn1_beta
    x = jax.nn.relu(x @ W1 + b1)
    x = x / jnp.sqrt(1.0 + BN_EPS) * bn2_gamma + bn2_beta
    x = jax.nn.relu(x @ W2 + b2)
    return x

if __name__ == "__main__":
    import jax
    _d = setup_inputs()
    print(jax.jit(kernel)(*tuple(_d.values())))

</pallas_src>

<mosaic_0001>
#map = affine_map<(d0, d1) -> (0)>
#map1 = affine_map<(d0, d1) -> (0, 0)>
module attributes {stable_mosaic.version = 14 : i64} {
  func.func @sc_lookup(%arg0: i32, %arg1: i32, %arg2: memref<16384xi32, #tpu.memory_space<hbm>>, %arg3: memref<16x1408xf32, #tpu.memory_space<hbm>>, %arg4: memref<16x16384xf32, #tpu.memory_space<hbm>>, %arg5: memref<8192xi32, #tpu.memory_space<vmem>>, %arg6: memref<1x1408xf32, #tpu.memory_space<vmem>>, %arg7: memref<1x8192xf32, #tpu.memory_space<vmem>>, %arg8: memref<!tpu.dma_semaphore, #tpu.memory_space<semaphore_mem>>, %arg9: memref<!tpu.dma_semaphore, #tpu.memory_space<semaphore_mem>>) attributes {dimension_semantics = [#tpu.dimension_semantics<core_parallel>, #tpu.dimension_semantics<subcore_parallel>], iteration_bounds = array<i64: 2, 16>, scalar_prefetch = 0 : i64, scratch_operands = 5 : i64, tpu.core_type = #tpu.core_type<sc_vector_subcore>, window_params = [{transform_indices = #map}, {transform_indices = #map1}, {transform_indices = #map1}]} {
    %mul3A = arith.constant 2 : i32
    %mul3A_0 = arith.muli %arg1, %mul3A : i32
    %add3A = arith.addi %mul3A_0, %arg0 : i32
    %rem3A = arith.constant 16 : i32
    %rem3A_1 = arith.remsi %add3A, %rem3A : i32
    %div3A = arith.constant 16 : i32
    %div3A_2 = arith.divsi %add3A, %div3A : i32
    %mul3A_3 = arith.constant 8192 : i32
    %mul3A_4 = arith.muli %div3A_2, %mul3A_3 : i32
    %dma_start3A = arith.constant 0 : i32
    %dma_start3A_5 = tpu.memref_slice %arg3[%rem3A_1, %dma_start3A] : memref<16x1408xf32, #tpu.memory_space<hbm>> -> memref<1x1408xf32, #tpu.memory_space<hbm>>
    %dma_start3A_6 = arith.constant 0 : i32
    %dma_start3A_7 = tpu.memref_slice %arg3[%rem3A_1, %dma_start3A_6] : memref<16x1408xf32, #tpu.memory_space<hbm>> -> memref<1x1408xf32, #tpu.memory_space<hbm>>
    tpu.enqueue_dma source(%dma_start3A_7 : memref<1x1408xf32, #tpu.memory_space<hbm>>) target(%arg6 : memref<1x1408xf32, #tpu.memory_space<vmem>>) target_semaphore(%arg9 : memref<!tpu.dma_semaphore, #tpu.memory_space<semaphore_mem>>)
    %dma_start3A_8 = tpu.memref_slice %arg2[%mul3A_4] : memref<16384xi32, #tpu.memory_space<hbm>> -> memref<8192xi32, #tpu.memory_space<hbm>>
    %dma_start3A_9 = tpu.memref_slice %arg2[%mul3A_4] : memref<16384xi32, #tpu.memory_space<hbm>> -> memref<8192xi32, #tpu.memory_space<hbm>>
    tpu.enqueue_dma source(%dma_start3A_9 : memref<8192xi32, #tpu.memory_space<hbm>>) target(%arg5 : memref<8192xi32, #tpu.memory_space<vmem>>) target_semaphore(%arg8 : memref<!tpu.dma_semaphore, #tpu.memory_space<semaphore_mem>>)
    %dma_wait3A = tpu.memref_slice %arg2[%mul3A_4] : memref<16384xi32, #tpu.memory_space<hbm>> -> memref<8192xi32, #tpu.memory_space<hbm>>
    %dma_wait3A_10 = tpu.memref_slice %arg2[%mul3A_4] : memref<16384xi32, #tpu.memory_space<hbm>> -> memref<8192xi32, #tpu.memory_space<hbm>>
    tpu.wait_dma2 semaphore(%arg8 : memref<!tpu.dma_semaphore, #tpu.memory_space<semaphore_mem>>) src(%dma_wait3A_10 : memref<8192xi32, #tpu.memory_space<hbm>>) dst(%arg5 : memref<8192xi32, #tpu.memory_space<vmem>>)
    %dma_wait3A_11 = arith.constant 0 : i32
    %dma_wait3A_12 = tpu.memref_slice %arg3[%rem3A_1, %dma_wait3A_11] : memref<16x1408xf32, #tpu.memory_space<hbm>> -> memref<1x1408xf32, #tpu.memory_space<hbm>>
    %dma_wait3A_13 = arith.constant 0 : i32
    %dma_wait3A_14 = tpu.memref_slice %arg3[%rem3A_1, %dma_wait3A_13] : memref<16x1408xf32, #tpu.memory_space<hbm>> -> memref<1x1408xf32, #tpu.memory_space<hbm>>
    tpu.wait_dma2 semaphore(%arg9 : memref<!tpu.dma_semaphore, #tpu.memory_space<semaphore_mem>>) src(%dma_wait3A_14 : memref<1x1408xf32, #tpu.memory_space<hbm>>) dst(%arg6 : memref<1x1408xf32, #tpu.memory_space<vmem>>)
    %broadcast_in_dim3A = arith.constant 0 : i32
    %broadcast_in_dim3A_15 = vector.broadcast %broadcast_in_dim3A : i32 to vector<16xi32>
    %scan3A = arith.constant 0 : i32
    %scan3A_16 = arith.constant 0 : i32
    %scan3A_17 = arith.constant 64 : i32
    %scan3A_18 = arith.addi %scan3A_16, %scan3A_17 : i32
    %scan3A_19 = arith.constant 1 : i32
    scf.for %scan3A_21 = %scan3A_16 to %scan3A_18 step %scan3A_19  : i32 {
      %mul3A_22 = arith.constant 128 : i32
      %mul3A_23 = arith.muli %scan3A_21, %mul3A_22 : i32
      %add3A_24 = arith.constant 0 : i32
      %add3A_25 = arith.addi %mul3A_23, %add3A_24 : i32
      %get3A = arith.index_cast %add3A_25 : i32 to index
      %get3A_26 = tpu.vector_load %arg5[%get3A] {strides = array<i32>} : memref<8192xi32, #tpu.memory_space<vmem>>, vector<16xi32>,
      %gather3A = tpu.vector_load_idx %arg6[%broadcast_in_dim3A_15, %get3A_26] : memref<1x1408xf32, #tpu.memory_space<vmem>>[vector<16xi32>, vector<16xi32>], vector<16xf32>,
      %swap3A = arith.constant 0 : i32
      %swap3A_27 = arith.index_cast %swap3A : i32 to index
      %swap3A_28 = arith.index_cast %add3A_25 : i32 to index
      %swap3A_29 = tpu.vector_load %arg7[%swap3A_27, %swap3A_28] {strides = array<i32>} : memref<1x8192xf32, #tpu.memory_space<vmem>>, vector<16xf32>,
      tpu.vector_store %arg7[%swap3A_27, %swap3A_28], %gather3A {strides = array<i32>} : memref<1x8192xf32, #tpu.memory_space<vmem>>, vector<16xf32>,
      %mul3A_30 = arith.constant 128 : i32
      %mul3A_31 = arith.muli %scan3A_21, %mul3A_30 : i32
      %add3A_32 = arith.constant 16 : i32
      %add3A_33 = arith.addi %mul3A_31, %add3A_32 : i32
      %get3A_34 = arith.index_cast %add3A_33 : i32 to index
      %get3A_35 = tpu.vector_load %arg5[%get3A_34] {strides = array<i32>} : memref<8192xi32, #tpu.memory_space<vmem>>, vector<16xi32>,
      %gather3A_36 = tpu.vector_load_idx %arg6[%broadcast_in_dim3A_15, %get3A_35] : memref<1x1408xf32, #tpu.memory_space<vmem>>[vector<16xi32>, vector<16xi32>], vector<16xf32>,
      %swap3A_37 = arith.constant 0 : i32
      %swap3A_38 = arith.index_cast %swap3A_37 : i32 to index
      %swap3A_39 = arith.index_cast %add3A_33 : i32 to index
      %swap3A_40 = tpu.vector_load %arg7[%swap3A_38, %swap3A_39] {strides = array<i32>} : memref<1x8192xf32, #tpu.memory_space<vmem>>, vector<16xf32>,
      tpu.vector_store %arg7[%swap3A_38, %swap3A_39], %gather3A_36 {strides = array<i32>} : memref<1x8192xf32, #tpu.memory_space<vmem>>, vector<16xf32>,
      %mul3A_41 = arith.constant 128 : i32
      %mul3A_42 = arith.muli %scan3A_21, %mul3A_41 : i32
      %add3A_43 = arith.constant 32 : i32
      %add3A_44 = arith.addi %mul3A_42, %add3A_43 : i32
      %get3A_45 = arith.index_cast %add3A_44 : i32 to index
      %get3A_46 = tpu.vector_load %arg5[%get3A_45] {strides = array<i32>} : memref<8192xi32, #tpu.memory_space<vmem>>, vector<16xi32>,
      %gather3A_47 = tpu.vector_load_idx %arg6[%broadcast_in_dim3A_15, %get3A_46] : memref<1x1408xf32, #tpu.memory_space<vmem>>[vector<16xi32>, vector<16xi32>], vector<16xf32>,
      %swap3A_48 = arith.constant 0 : i32
      %swap3A_49 = arith.index_cast %swap3A_48 : i32 to index
      %swap3A_50 = arith.index_cast %add3A_44 : i32 to index
      %swap3A_51 = tpu.vector_load %arg7[%swap3A_49, %swap3A_50] {strides = array<i32>} : memref<1x8192xf32, #tpu.memory_space<vmem>>, vector<16xf32>,
      tpu.vector_store %arg7[%swap3A_49, %swap3A_50], %gather3A_47 {strides = array<i32>} : memref<1x8192xf32, #tpu.memory_space<vmem>>, vector<16xf32>,
      %mul3A_52 = arith.constant 128 : i32
      %mul3A_53 = arith.muli %scan3A_21, %mul3A_52 : i32
      %add3A_54 = arith.constant 48 : i32
      %add3A_55 = arith.addi %mul3A_53, %add3A_54 : i32
      %get3A_56 = arith.index_cast %add3A_55 : i32 to index
      %get3A_57 = tpu.vector_load %arg5[%get3A_56] {strides = array<i32>} : memref<8192xi32, #tpu.memory_space<vmem>>, vector<16xi32>,
      %gather3A_58 = tpu.vector_load_idx %arg6[%broadcast_in_dim3A_15, %get3A_57] : memref<1x1408xf32, #tpu.memory_space<vmem>>[vector<16xi32>, vector<16xi32>], vector<16xf32>,
      %swap3A_59 = arith.constant 0 : i32
      %swap3A_60 = arith.index_cast %swap3A_59 : i32 to index
      %swap3A_61 = arith.index_cast %add3A_55 : i32 to index
      %swap3A_62 = tpu.vector_load %arg7[%swap3A_60, %swap3A_61] {strides = array<i32>} : memref<1x8192xf32, #tpu.memory_space<vmem>>, vector<16xf32>,
      tpu.vector_store %arg7[%swap3A_60, %swap3A_61], %gather3A_58 {strides = array<i32>} : memref<1x8192xf32, #tpu.memory_space<vmem>>, vector<16xf32>,
      %mul3A_63 = arith.constant 128 : i32
      %mul3A_64 = arith.muli %scan3A_21, %mul3A_63 : i32
      %add3A_65 = arith.constant 64 : i32
      %add3A_66 = arith.addi %mul3A_64, %add3A_65 : i32
      %get3A_67 = arith.index_cast %add3A_66 : i32 to index
      %get3A_68 = tpu.vector_load %arg5[%get3A_67] {strides = array<i32>} : memref<8192xi32, #tpu.memory_space<vmem>>, vector<16xi32>,
      %gather3A_69 = tpu.vector_load_idx %arg6[%broadcast_in_dim3A_15, %get3A_68] : memref<1x1408xf32, #tpu.memory_space<vmem>>[vector<16xi32>, vector<16xi32>], vector<16xf32>,
      %swap3A_70 = arith.constant 0 : i32
      %swap3A_71 = arith.index_cast %swap3A_70 : i32 to index
      %swap3A_72 = arith.index_cast %add3A_66 : i32 to index
      %swap3A_73 = tpu.vector_load %arg7[%swap3A_71, %swap3A_72] {strides = array<i32>} : memref<1x8192xf32, #tpu.memory_space<vmem>>, vector<16xf32>,
      tpu.vector_store %arg7[%swap3A_71, %swap3A_72], %gather3A_69 {strides = array<i32>} : memref<1x8192xf32, #tpu.memory_space<vmem>>, vector<16xf32>,
      %mul3A_74 = arith.constant 128 : i32
      %mul3A_75 = arith.muli %scan3A_21, %mul3A_74 : i32
      %add3A_76 = arith.constant 80 : i32
      %add3A_77 = arith.addi %mul3A_75, %add3A_76 : i32
      %get3A_78 = arith.index_cast %add3A_77 : i32 to index
      %get3A_79 = tpu.vector_load %arg5[%get3A_78] {strides = array<i32>} : memref<8192xi32, #tpu.memory_space<vmem>>, vector<16xi32>,
      %gather3A_80 = tpu.vector_load_idx %arg6[%broadcast_in_dim3A_15, %get3A_79] : memref<1x1408xf32, #tpu.memory_space<vmem>>[vector<16xi32>, vector<16xi32>], vector<16xf32>,
      %swap3A_81 = arith.constant 0 : i32
      %swap3A_82 = arith.index_cast %swap3A_81 : i32 to index
      %swap3A_83 = arith.index_cast %add3A_77 : i32 to index
      %swap3A_84 = tpu.vector_load %arg7[%swap3A_82, %swap3A_83] {strides = array<i32>} : memref<1x8192xf32, #tpu.memory_space<vmem>>, vector<16xf32>,
      tpu.vector_store %arg7[%swap3A_82, %swap3A_83], %gather3A_80 {strides = array<i32>} : memref<1x8192xf32, #tpu.memory_space<vmem>>, vector<16xf32>,
      %mul3A_85 = arith.constant 128 : i32
      %mul3A_86 = arith.muli %scan3A_21, %mul3A_85 : i32
      %add3A_87 = arith.constant 96 : i32
      %add3A_88 = arith.addi %mul3A_86, %add3A_87 : i32
      %get3A_89 = arith.index_cast %add3A_88 : i32 to index
      %get3A_90 = tpu.vector_load %arg5[%get3A_89] {strides = array<i32>} : memref<8192xi32, #tpu.memory_space<vmem>>, vector<16xi32>,
      %gather3A_91 = tpu.vector_load_idx %arg6[%broadcast_in_dim3A_15, %get3A_90] : memref<1x1408xf32, #tpu.memory_space<vmem>>[vector<16xi32>, vector<16xi32>], vector<16xf32>,
      %swap3A_92 = arith.constant 0 : i32
      %swap3A_93 = arith.index_cast %swap3A_92 : i32 to index
      %swap3A_94 = arith.index_cast %add3A_88 : i32 to index
      %swap3A_95 = tpu.vector_load %arg7[%swap3A_93, %swap3A_94] {strides = array<i32>} : memref<1x8192xf32, #tpu.memory_space<vmem>>, vector<16xf32>,
      tpu.vector_store %arg7[%swap3A_93, %swap3A_94], %gather3A_91 {strides = array<i32>} : memref<1x8192xf32, #tpu.memory_space<vmem>>, vector<16xf32>,
      %mul3A_96 = arith.constant 128 : i32
      %mul3A_97 = arith.muli %scan3A_21, %mul3A_96 : i32
      %add3A_98 = arith.constant 112 : i32
      %add3A_99 = arith.addi %mul3A_97, %add3A_98 : i32
      %get3A_100 = arith.index_cast %add3A_99 : i32 to index
      %get3A_101 = tpu.vector_load %arg5[%get3A_100] {strides = array<i32>} : memref<8192xi32, #tpu.memory_space<vmem>>, vector<16xi32>,
      %gather3A_102 = tpu.vector_load_idx %arg6[%broadcast_in_dim3A_15, %get3A_101] : memref<1x1408xf32, #tpu.memory_space<vmem>>[vector<16xi32>, vector<16xi32>], vector<16xf32>,
      %swap3A_103 = arith.constant 0 : i32
      %swap3A_104 = arith.index_cast %swap3A_103 : i32 to index
      %swap3A_105 = arith.index_cast %add3A_99 : i32 to index
      %swap3A_106 = tpu.vector_load %arg7[%swap3A_104, %swap3A_105] {strides = array<i32>} : memref<1x8192xf32, #tpu.memory_space<vmem>>, vector<16xf32>,
      tpu.vector_store %arg7[%swap3A_104, %swap3A_105], %gather3A_102 {strides = array<i32>} : memref<1x8192xf32, #tpu.memory_space<vmem>>, vector<16xf32>,
    }
    %scan3A_20 = arith.constant 64 : i32
    "tpu.region"() ({
      %run_scoped3A = tpu.sem_alloc : memref<!tpu.dma_semaphore, #tpu.memory_space<semaphore_mem>>
      %dma_start3A_21 = tpu.memref_slice %arg4[%rem3A_1, %mul3A_4] : memref<16x16384xf32, #tpu.memory_space<hbm>> -> memref<1x8192xf32, #tpu.memory_space<hbm>>
      %dma_start3A_22 = tpu.memref_slice %arg4[%rem3A_1, %mul3A_4] : memref<16x16384xf32, #tpu.memory_space<hbm>> -> memref<1x8192xf32, #tpu.memory_space<hbm>>
      tpu.enqueue_dma source(%arg7 : memref<1x8192xf32, #tpu.memory_space<vmem>>) target(%dma_start3A_22 : memref<1x8192xf32, #tpu.memory_space<hbm>>) target_semaphore(%run_scoped3A : memref<!tpu.dma_semaphore, #tpu.memory_space<semaphore_mem>>)
      %dma_wait3A_23 = tpu.memref_slice %arg4[%rem3A_1, %mul3A_4] : memref<16x16384xf32, #tpu.memory_space<hbm>> -> memref<1x8192xf32, #tpu.memory_space<hbm>>
      %dma_wait3A_24 = tpu.memref_slice %arg4[%rem3A_1, %mul3A_4] : memref<16x16384xf32, #tpu.memory_space<hbm>> -> memref<1x8192xf32, #tpu.memory_space<hbm>>
      tpu.wait_dma2 semaphore(%run_scoped3A : memref<!tpu.dma_semaphore, #tpu.memory_space<semaphore_mem>>) src(%arg7 : memref<1x8192xf32, #tpu.memory_space<vmem>>) dst(%dma_wait3A_24 : memref<1x8192xf32, #tpu.memory_space<hbm>>)
      tpu.yield
    }) : () -> ()
    return
  }
}

module attributes {stable_mosaic.version = 14 : i64} {
  func.func @_prologue_body(%arg0: memref<16384xf32, #tpu.memory_space<any>>, %arg1: memref<16384xi32, #tpu.memory_space<any>>, %arg2: memref<11x32xf32, #tpu.memory_space<any>>, %arg3: memref<101x32xf32, #tpu.memory_space<any>>, %arg4: memref<1x64xf32, #tpu.memory_space<any>>, %arg5: memref<1x64xf32, #tpu.memory_space<any>>, %arg6: memref<64x32xf32, #tpu.memory_space<any>>, %arg7: memref<1x32xf32, #tpu.memory_space<any>>, %arg8: memref<1x32xf32, #tpu.memory_space<any>>, %arg9: memref<1x32xf32, #tpu.memory_space<any>>, %arg10: memref<32x16xf32, #tpu.memory_space<any>>, %arg11: memref<1x16xf32, #tpu.memory_space<any>>, %arg12: memref<16384xi32, #tpu.memory_space<vmem>>, %arg13: memref<16x1408xf32, #tpu.memory_space<vmem>>, %arg14: memref<16384xf32, #tpu.memory_space<vmem>>, %arg15: memref<16384xi32, #tpu.memory_space<vmem>>, %arg16: memref<11x32xf32, #tpu.memory_space<vmem>>, %arg17: memref<101x32xf32, #tpu.memory_space<vmem>>, %arg18: memref<1x64xf32, #tpu.memory_space<vmem>>, %arg19: memref<1x64xf32, #tpu.memory_space<vmem>>, %arg20: memref<64x32xf32, #tpu.memory_space<vmem>>, %arg21: memref<1x32xf32, #tpu.memory_space<vmem>>, %arg22: memref<1x32xf32, #tpu.memory_space<vmem>>, %arg23: memref<1x32xf32, #tpu.memory_space<vmem>>, %arg24: memref<32x16xf32, #tpu.memory_space<vmem>>, %arg25: memref<1x16xf32, #tpu.memory_space<vmem>>, %arg26: memref<!tpu.dma_semaphore, #tpu.memory_space<semaphore_mem>>) attributes {dimension_semantics = [], scalar_prefetch = 0 : i64, scratch_operands = 13 : i64, tpu.core_type = #tpu.core_type<tc>} {
    tpu.enqueue_dma source(%arg0 : memref<16384xf32, #tpu.memory_space<any>>) target(%arg14 : memref<16384xf32, #tpu.memory_space<vmem>>) target_semaphore(%arg26 : memref<!tpu.dma_semaphore, #tpu.memory_space<semaphore_mem>>)
    tpu.enqueue_dma source(%arg1 : memref<16384xi32, #tpu.memory_space<any>>) target(%arg15 : memref<16384xi32, #tpu.memory_space<vmem>>) target_semaphore(%arg26 : memref<!tpu.dma_semaphore, #tpu.memory_space<semaphore_mem>>)
    tpu.enqueue_dma source(%arg2 : memref<11x32xf32, #tpu.memory_space<any>>) target(%arg16 : memref<11x32xf32, #tpu.memory_space<vmem>>) target_semaphore(%arg26 : memref<!tpu.dma_semaphore, #tpu.memory_space<semaphore_mem>>)
    tpu.enqueue_dma source(%arg3 : memref<101x32xf32, #tpu.memory_space<any>>) target(%arg17 : memref<101x32xf32, #tpu.memory_space<vmem>>) target_semaphore(%arg26 : memref<!tpu.dma_semaphore, #tpu.memory_space<semaphore_mem>>)
    tpu.enqueue_dma source(%arg4 : memref<1x64xf32, #tpu.memory_space<any>>) target(%arg18 : memref<1x64xf32, #tpu.memory_space<vmem>>) target_semaphore(%arg26 : memref<!tpu.dma_semaphore, #tpu.memory_space<semaphore_mem>>)
    tpu.enqueue_dma source(%arg5 : memref<1x64xf32, #tpu.memory_space<any>>) target(%arg19 : memref<1x64xf32, #tpu.memory_space<vmem>>) target_semaphore(%arg26 : memref<!tpu.dma_semaphore, #tpu.memory_space<semaphore_mem>>)
    tpu.enqueue_dma source(%arg6 : memref<64x32xf32, #tpu.memory_space<any>>) target(%arg20 : memref<64x32xf32, #tpu.memory_space<vmem>>) target_semaphore(%arg26 : memref<!tpu.dma_semaphore, #tpu.memory_space<semaphore_mem>>)
    tpu.enqueue_dma source(%arg7 : memref<1x32xf32, #tpu.memory_space<any>>) target(%arg21 : memref<1x32xf32, #tpu.memory_space<vmem>>) target_semaphore(%arg26 : memref<!tpu.dma_semaphore, #tpu.memory_space<semaphore_mem>>)
    tpu.enqueue_dma source(%arg8 : memref<1x32xf32, #tpu.memory_space<any>>) target(%arg22 : memref<1x32xf32, #tpu.memory_space<vmem>>) target_semaphore(%arg26 : memref<!tpu.dma_semaphore, #tpu.memory_space<semaphore_mem>>)
    tpu.enqueue_dma source(%arg9 : memref<1x32xf32, #tpu.memory_space<any>>) target(%arg23 : memref<1x32xf32, #tpu.memory_space<vmem>>) target_semaphore(%arg26 : memref<!tpu.dma_semaphore, #tpu.memory_space<semaphore_mem>>)
    tpu.enqueue_dma source(%arg10 : memref<32x16xf32, #tpu.memory_space<any>>) target(%arg24 : memref<32x16xf32, #tpu.memory_space<vmem>>) target_semaphore(%arg26 : memref<!tpu.dma_semaphore, #tpu.memory_space<semaphore_mem>>)
    tpu.enqueue_dma source(%arg11 : memref<1x16xf32, #tpu.memory_space<any>>) target(%arg25 : memref<1x16xf32, #tpu.memory_space<vmem>>) target_semaphore(%arg26 : memref<!tpu.dma_semaphore, #tpu.memory_space<semaphore_mem>>)
    tpu.wait_dma2 semaphore(%arg26 : memref<!tpu.dma_semaphore, #tpu.memory_space<semaphore_mem>>) src(%arg0 : memref<16384xf32, #tpu.memory_space<any>>) dst(%arg14 : memref<16384xf32, #tpu.memory_space<vmem>>)
    tpu.wait_dma2 semaphore(%arg26 : memref<!tpu.dma_semaphore, #tpu.memory_space<semaphore_mem>>) src(%arg1 : memref<16384xi32, #tpu.memory_space<any>>) dst(%arg15 : memref<16384xi32, #tpu.memory_space<vmem>>)
    tpu.wait_dma2 semaphore(%arg26 : memref<!tpu.dma_semaphore, #tpu.memory_space<semaphore_mem>>) src(%arg2 : memref<11x32xf32, #tpu.memory_space<any>>) dst(%arg16 : memref<11x32xf32, #tpu.memory_space<vmem>>)
    tpu.wait_dma2 semaphore(%arg26 : memref<!tpu.dma_semaphore, #tpu.memory_space<semaphore_mem>>) src(%arg3 : memref<101x32xf32, #tpu.memory_space<any>>) dst(%arg17 : memref<101x32xf32, #tpu.memory_space<vmem>>)
    tpu.wait_dma2 semaphore(%arg26 : memref<!tpu.dma_semaphore, #tpu.memory_space<semaphore_mem>>) src(%arg4 : memref<1x64xf32, #tpu.memory_space<any>>) dst(%arg18 : memref<1x64xf32, #tpu.memory_space<vmem>>)
    tpu.wait_dma2 semaphore(%arg26 : memref<!tpu.dma_semaphore, #tpu.memory_space<semaphore_mem>>) src(%arg5 : memref<1x64xf32, #tpu.memory_space<any>>) dst(%arg19 : memref<1x64xf32, #tpu.memory_space<vmem>>)
    tpu.wait_dma2 semaphore(%arg26 : memref<!tpu.dma_semaphore, #tpu.memory_space<semaphore_mem>>) src(%arg6 : memref<64x32xf32, #tpu.memory_space<any>>) dst(%arg20 : memref<64x32xf32, #tpu.memory_space<vmem>>)
    tpu.wait_dma2 semaphore(%arg26 : memref<!tpu.dma_semaphore, #tpu.memory_space<semaphore_mem>>) src(%arg7 : memref<1x32xf32, #tpu.memory_space<any>>) dst(%arg21 : memref<1x32xf32, #tpu.memory_space<vmem>>)
    tpu.wait_dma2 semaphore(%arg26 : memref<!tpu.dma_semaphore, #tpu.memory_space<semaphore_mem>>) src(%arg8 : memref<1x32xf32, #tpu.memory_space<any>>) dst(%arg22 : memref<1x32xf32, #tpu.memory_space<vmem>>)
    tpu.wait_dma2 semaphore(%arg26 : memref<!tpu.dma_semaphore, #tpu.memory_space<semaphore_mem>>) src(%arg9 : memref<1x32xf32, #tpu.memory_space<any>>) dst(%arg23 : memref<1x32xf32, #tpu.memory_space<vmem>>)
    tpu.wait_dma2 semaphore(%arg26 : memref<!tpu.dma_semaphore, #tpu.memory_space<semaphore_mem>>) src(%arg10 : memref<32x16xf32, #tpu.memory_space<any>>) dst(%arg24 : memref<32x16xf32, #tpu.memory_space<vmem>>)
    tpu.wait_dma2 semaphore(%arg26 : memref<!tpu.dma_semaphore, #tpu.memory_space<semaphore_mem>>) src(%arg11 : memref<1x16xf32, #tpu.memory_space<any>>) dst(%arg25 : memref<1x16xf32, #tpu.memory_space<vmem>>)
    %get3A = arith.constant 0 : index
    %get3A_0 = vector.load %arg14[%get3A] : memref<16384xf32, #tpu.memory_space<vmem>>, vector<16384xf32>
    %broadcast_in_dim3A = arith.constant 0 : i32
    %broadcast_in_dim3A_1 = vector.broadcast %broadcast_in_dim3A : i32 to vector<16384xi32>
    %ge3A = arith.constant 1.000000e+00 : f32
    %ge3A_2 = vector.broadcast %ge3A : f32 to vector<16384xf32>
    %ge3A_3 = arith.cmpf oge, %get3A_0, %ge3A_2 : vector<16384xf32>
    %jit3A = arith.constant 1 : i32
    %jit3A_4 = arith.constant 0 : i32
    %broadcast_in_dim3A_5 = vector.broadcast %jit3A : i32 to vector<16384xi32>
    %broadcast_in_dim3A_6 = vector.broadcast %jit3A_4 : i32 to vector<16384xi32>
    %select_n3A = arith.select %ge3A_3, %broadcast_in_dim3A_5, %broadcast_in_dim3A_6 : vector<16384xi1>, vector<16384xi32>
    %add3A = arith.addi %broadcast_in_dim3A_1, %select_n3A : vector<16384xi32>
    %ge3A_7 = arith.constant 1.100000e+01 : f32
    %ge3A_8 = vector.broadcast %ge3A_7 : f32 to vector<16384xf32>
    %ge3A_9 = arith.cmpf oge, %get3A_0, %ge3A_8 : vector<16384xf32>
    %jit3A_10 = arith.constant 1 : i32
    %jit3A_11 = arith.constant 0 : i32
    %broadcast_in_dim3A_12 = vector.broadcast %jit3A_10 : i32 to vector<16384xi32>
    %broadcast_in_dim3A_13 = vector.broadcast %jit3A_11 : i32 to vector<16384xi32>
    %select_n3A_14 = arith.select %ge3A_9, %broadcast_in_dim3A_12, %broadcast_in_dim3A_13 : vector<16384xi1>, vector<16384xi32>
    %add3A_15 = arith.addi %add3A, %select_n3A_14 : vector<16384xi32>
    %ge3A_16 = arith.constant 2.100000e+01 : f32
    %ge3A_17 = vector.broadcast %ge3A_16 : f32 to vector<16384xf32>
    %ge3A_18 = arith.cmpf oge, %get3A_0, %ge3A_17 : vector<16384xf32>
    %jit3A_19 = arith.constant 1 : i32
    %jit3A_20 = arith.constant 0 : i32
    %broadcast_in_dim3A_21 = vector.broadcast %jit3A_19 : i32 to vector<16384xi32>
    %broadcast_in_dim3A_22 = vector.broadcast %jit3A_20 : i32 to vector<16384xi32>
    %select_n3A_23 = arith.select %ge3A_18, %broadcast_in_dim3A_21, %broadcast_in_dim3A_22 : vector<16384xi1>, vector<16384xi32>
    %add3A_24 = arith.addi %add3A_15, %select_n3A_23 : vector<16384xi32>
    %ge3A_25 = arith.constant 3.100000e+01 : f32
    %ge3A_26 = vector.broadcast %ge3A_25 : f32 to vector<16384xf32>
    %ge3A_27 = arith.cmpf oge, %get3A_0, %ge3A_26 : vector<16384xf32>
    %jit3A_28 = arith.constant 1 : i32
    %jit3A_29 = arith.constant 0 : i32
    %broadcast_in_dim3A_30 = vector.broadcast %jit3A_28 : i32 to vector<16384xi32>
    %broadcast_in_dim3A_31 = vector.broadcast %jit3A_29 : i32 to vector<16384xi32>
    %select_n3A_32 = arith.select %ge3A_27, %broadcast_in_dim3A_30, %broadcast_in_dim3A_31 : vector<16384xi1>, vector<16384xi32>
    %add3A_33 = arith.addi %add3A_24, %select_n3A_32 : vector<16384xi32>
    %ge3A_34 = arith.constant 4.100000e+01 : f32
    %ge3A_35 = vector.broadcast %ge3A_34 : f32 to vector<16384xf32>
    %ge3A_36 = arith.cmpf oge, %get3A_0, %ge3A_35 : vector<16384xf32>
    %jit3A_37 = arith.constant 1 : i32
    %jit3A_38 = arith.constant 0 : i32
    %broadcast_in_dim3A_39 = vector.broadcast %jit3A_37 : i32 to vector<16384xi32>
    %broadcast_in_dim3A_40 = vector.broadcast %jit3A_38 : i32 to vector<16384xi32>
    %select_n3A_41 = arith.select %ge3A_36, %broadcast_in_dim3A_39, %broadcast_in_dim3A_40 : vector<16384xi1>, vector<16384xi32>
    %add3A_42 = arith.addi %add3A_33, %select_n3A_41 : vector<16384xi32>
    %ge3A_43 = arith.constant 5.100000e+01 : f32
    %ge3A_44 = vector.broadcast %ge3A_43 : f32 to vector<16384xf32>
    %ge3A_45 = arith.cmpf oge, %get3A_0, %ge3A_44 : vector<16384xf32>
    %jit3A_46 = arith.constant 1 : i32
    %jit3A_47 = arith.constant 0 : i32
    %broadcast_in_dim3A_48 = vector.broadcast %jit3A_46 : i32 to vector<16384xi32>
    %broadcast_in_dim3A_49 = vector.broadcast %jit3A_47 : i32 to vector<16384xi32>
    %select_n3A_50 = arith.select %ge3A_45, %broadcast_in_dim3A_48, %broadcast_in_dim3A_49 : vector<16384xi1>, vector<16384xi32>
    %add3A_51 = arith.addi %add3A_42, %select_n3A_50 : vector<16384xi32>
    %ge3A_52 = arith.constant 6.100000e+01 : f32
    %ge3A_53 = vector.broadcast %ge3A_52 : f32 to vector<16384xf32>
    %ge3A_54 = arith.cmpf oge, %get3A_0, %ge3A_53 : vector<16384xf32>
    %jit3A_55 = arith.constant 1 : i32
    %jit3A_56 = arith.constant 0 : i32
    %broadcast_in_dim3A_57 = vector.broadcast %jit3A_55 : i32 to vector<16384xi32>
    %broadcast_in_dim3A_58 = vector.broadcast %jit3A_56 : i32 to vector<16384xi32>
    %select_n3A_59 = arith.select %ge3A_54, %broadcast_in_dim3A_57, %broadcast_in_dim3A_58 : vector<16384xi1>, vector<16384xi32>
    %add3A_60 = arith.addi %add3A_51, %select_n3A_59 : vector<16384xi32>
    %ge3A_61 = arith.constant 7.100000e+01 : f32
    %ge3A_62 = vector.broadcast %ge3A_61 : f32 to vector<16384xf32>
    %ge3A_63 = arith.cmpf oge, %get3A_0, %ge3A_62 : vector<16384xf32>
    %jit3A_64 = arith.constant 1 : i32
    %jit3A_65 = arith.constant 0 : i32
    %broadcast_in_dim3A_66 = vector.broadcast %jit3A_64 : i32 to vector<16384xi32>
    %broadcast_in_dim3A_67 = vector.broadcast %jit3A_65 : i32 to vector<16384xi32>
    %select_n3A_68 = arith.select %ge3A_63, %broadcast_in_dim3A_66, %broadcast_in_dim3A_67 : vector<16384xi1>, vector<16384xi32>
    %add3A_69 = arith.addi %add3A_60, %select_n3A_68 : vector<16384xi32>
    %ge3A_70 = arith.constant 8.100000e+01 : f32
    %ge3A_71 = vector.broadcast %ge3A_70 : f32 to vector<16384xf32>
    %ge3A_72 = arith.cmpf oge, %get3A_0, %ge3A_71 : vector<16384xf32>
    %jit3A_73 = arith.constant 1 : i32
    %jit3A_74 = arith.constant 0 : i32
    %broadcast_in_dim3A_75 = vector.broadcast %jit3A_73 : i32 to vector<16384xi32>
    %broadcast_in_dim3A_76 = vector.broadcast %jit3A_74 : i32 to vector<16384xi32>
    %select_n3A_77 = arith.select %ge3A_72, %broadcast_in_dim3A_75, %broadcast_in_dim3A_76 : vector<16384xi1>, vector<16384xi32>
    %add3A_78 = arith.addi %add3A_69, %select_n3A_77 : vector<16384xi32>
    %ge3A_79 = arith.constant 9.100000e+01 : f32
    %ge3A_80 = vector.broadcast %ge3A_79 : f32 to vector<16384xf32>
    %ge3A_81 = arith.cmpf oge, %get3A_0, %ge3A_80 : vector<16384xf32>
    %jit3A_82 = arith.constant 1 : i32
    %jit3A_83 = arith.constant 0 : i32
    %broadcast_in_dim3A_84 = vector.broadcast %jit3A_82 : i32 to vector<16384xi32>
    %broadcast_in_dim3A_85 = vector.broadcast %jit3A_83 : i32 to vector<16384xi32>
    %select_n3A_86 = arith.select %ge3A_81, %broadcast_in_dim3A_84, %broadcast_in_dim3A_85 : vector<16384xi1>, vector<16384xi32>
    %add3A_87 = arith.addi %add3A_78, %select_n3A_86 : vector<16384xi32>
    %mul3A = arith.constant 128 : i32
    %mul3A_88 = vector.broadcast %mul3A : i32 to vector<16384xi32>
    %mul3A_89 = arith.muli %add3A_87, %mul3A_88 : vector<16384xi32>
    %get3A_90 = arith.constant 0 : index
    %get3A_91 = vector.load %arg15[%get3A_90] : memref<16384xi32, #tpu.memory_space<vmem>>, vector<16384xi32>
    %add3A_92 = arith.addi %mul3A_89, %get3A_91 : vector<16384xi32>
    %swap3A = arith.constant 0 : index
    %swap3A_93 = vector.load %arg12[%swap3A] : memref<16384xi32, #tpu.memory_space<vmem>>, vector<16384xi32>
    tpu.vector_store %arg12[%swap3A], %add3A_92 {strides = array<i32>} : memref<16384xi32, #tpu.memory_space<vmem>>, vector<16384xi32>,
    %get3A_94 = arith.constant 0 : index
    %get3A_95 = arith.constant 0 : index
    %get3A_96 = vector.load %arg20[%get3A_94, %get3A_95] : memref<64x32xf32, #tpu.memory_space<vmem>>, vector<64x32xf32>
    %get3A_97 = arith.constant 0 : index
    %get3A_98 = arith.constant 0 : index
    %get3A_99 = vector.load %arg18[%get3A_97, %get3A_98] : memref<1x64xf32, #tpu.memory_space<vmem>>, vector<1x64xf32>
    %mul3A_100 = arith.constant 0.999500393 : f32
    %mul3A_101 = vector.broadcast %mul3A_100 : f32 to vector<1x64xf32>
    %mul3A_102 = arith.mulf %get3A_99, %mul3A_101 : vector<1x64xf32>
    %get3A_103 = arith.constant 0 : index
    %get3A_104 = arith.constant 0 : index
    %get3A_105 = vector.load %arg19[%get3A_103, %get3A_104] : memref<1x64xf32, #tpu.memory_space<vmem>>, vector<1x64xf32>
    %slice3A = vector.extract_strided_slice %get3A_96 {offsets = [0, 0], sizes = [32, 32], strides = [1, 1]} : vector<64x32xf32> to vector<32x32xf32>
    %slice3A_106 = vector.extract_strided_slice %get3A_96 {offsets = [32, 0], sizes = [32, 32], strides = [1, 1]} : vector<64x32xf32> to vector<32x32xf32>
    %get3A_107 = arith.constant 0 : index
    %get3A_108 = arith.constant 0 : index
    %get3A_109 = vector.load %arg16[%get3A_107, %get3A_108] : memref<11x32xf32, #tpu.memory_space<vmem>>, vector<11x32xf32>
    %slice3A_110 = vector.extract_strided_slice %mul3A_102 {offsets = [0, 0], sizes = [1, 32], strides = [1, 1]} : vector<1x64xf32> to vector<1x32xf32>
    %mul3A_111 = vector.broadcast %slice3A_110 : vector<1x32xf32> to vector<11x32xf32>
    %mul3A_112 = arith.mulf %get3A_109, %mul3A_111 : vector<11x32xf32>
    %slice3A_113 = vector.extract_strided_slice %get3A_105 {offsets = [0, 0], sizes = [1, 32], strides = [1, 1]} : vector<1x64xf32> to vector<1x32xf32>
    %dot_general3A = arith.constant dense<0.000000e+00> : vector<1x32xf32>
    %dot_general3A_114 = tpu.matmul %slice3A_113, %slice3A, %dot_general3A {dimension_numbers = #tpu.dot_dimension_numbers<[1], [0], [0], [1], [0, 0, 1, 1], [], []>, precision = #tpu.contract_precision<fp32>, transpose_lhs_hint = false} : vector<1x32xf32>, vector<32x32xf32>, vector<1x32xf32> -> vector<1x32xf32>
    %get3A_115 = arith.constant 0 : index
    %get3A_116 = arith.constant 0 : index
    %get3A_117 = vector.load %arg21[%get3A_115, %get3A_116] : memref<1x32xf32, #tpu.memory_space<vmem>>, vector<1x32xf32>
    %add3A_118 = arith.addf %dot_general3A_114, %get3A_117 : vector<1x32xf32>
    %broadcast_in_dim3A_119 = arith.constant 1.000000e+00 : f32
    %broadcast_in_dim3A_120 = vector.broadcast %broadcast_in_dim3A_119 : f32 to vector<11x1xf32>
    %concatenate3A = tpu.concatenate %mul3A_112, %broadcast_in_dim3A_120 in 1 : vector<11x32xf32>, vector<11x1xf32> -> vector<11x33xf32>
    %concatenate3A_121 = tpu.concatenate %slice3A, %add3A_118 in 0 : vector<32x32xf32>, vector<1x32xf32> -> vector<33x32xf32>
    %dot_general3A_122 = arith.constant dense<0.000000e+00> : vector<32x11xf32>
    %dot_general3A_123 = tpu.matmul %concatenate3A_121, %concatenate3A, %dot_general3A_122 {dimension_numbers = #tpu.dot_dimension_numbers<[0], [1], [1], [0], [0, 1, 1, 0], [], []>, precision = #tpu.contract_precision<fp32>, transpose_lhs_hint = false} : vector<33x32xf32>, vector<11x33xf32>, vector<32x11xf32> -> vector<32x11xf32>
    %get3A_124 = arith.constant 0 : index
    %get3A_125 = arith.constant 0 : index
    %get3A_126 = vector.load %arg17[%get3A_124, %get3A_125] : memref<101x32xf32, #tpu.memory_space<vmem>>, vector<101x32xf32>
    %slice3A_127 = vector.extract_strided_slice %mul3A_102 {offsets = [0, 32], sizes = [1, 32], strides = [1, 1]} : vector<1x64xf32> to vector<1x32xf32>
    %mul3A_128 = vector.broadcast %slice3A_127 : vector<1x32xf32> to vector<101x32xf32>
    %mul3A_129 = arith.mulf %get3A_126, %mul3A_128 : vector<101x32xf32>
    %slice3A_130 = vector.extract_strided_slice %get3A_105 {offsets = [0, 32], sizes = [1, 32], strides = [1, 1]} : vector<1x64xf32> to vector<1x32xf32>
    %dot_general3A_131 = arith.constant dense<0.000000e+00> : vector<1x32xf32>
    %dot_general3A_132 = tpu.matmul %slice3A_130, %slice3A_106, %dot_general3A_131 {dimension_numbers = #tpu.dot_dimension_numbers<[1], [0], [0], [1], [0, 0, 1, 1], [], []>, precision = #tpu.contract_precision<fp32>, transpose_lhs_hint = false} : vector<1x32xf32>, vector<32x32xf32>, vector<1x32xf32> -> vector<1x32xf32>
    %broadcast_in_dim3A_133 = arith.constant 1.000000e+00 : f32
    %broadcast_in_dim3A_134 = vector.broadcast %broadcast_in_dim3A_133 : f32 to vector<101x1xf32>
    %concatenate3A_135 = tpu.concatenate %mul3A_129, %broadcast_in_dim3A_134 in 1 : vector<101x32xf32>, vector<101x1xf32> -> vector<101x33xf32>
    %concatenate3A_136 = tpu.concatenate %slice3A_106, %dot_general3A_132 in 0 : vector<32x32xf32>, vector<1x32xf32> -> vector<33x32xf32>
    %dot_general3A_137 = arith.constant dense<0.000000e+00> : vector<32x101xf32>
    %dot_general3A_138 = tpu.matmul %concatenate3A_136, %concatenate3A_135, %dot_general3A_137 {dimension_numbers = #tpu.dot_dimension_numbers<[0], [1], [1], [0], [0, 1, 1, 0], [], []>, precision = #tpu.contract_precision<fp32>, transpose_lhs_hint = false} : vector<33x32xf32>, vector<101x33xf32>, vector<32x101xf32> -> vector<32x101xf32>
    %broadcast_in_dim3A_139 = arith.constant 0.000000e+00 : f32
    %broadcast_in_dim3A_140 = vector.broadcast %broadcast_in_dim3A_139 : f32 to vector<32x27xf32>
    %concatenate3A_141 = tpu.concatenate %dot_general3A_138, %broadcast_in_dim3A_140 in 1 : vector<32x101xf32>, vector<32x27xf32> -> vector<32x128xf32>
    %get3A_142 = arith.constant 0 : index
    %get3A_143 = arith.constant 0 : index
    %get3A_144 = vector.load %arg24[%get3A_142, %get3A_143] : memref<32x16xf32, #tpu.memory_space<vmem>>, vector<32x16xf32>
    %get3A_145 = arith.constant 0 : index
    %get3A_146 = arith.constant 0 : index
    %get3A_147 = vector.load %arg22[%get3A_145, %get3A_146] : memref<1x32xf32, #tpu.memory_space<vmem>>, vector<1x32xf32>
    %mul3A_148 = arith.constant 0.999500393 : f32
    %mul3A_149 = vector.broadcast %mul3A_148 : f32 to vector<1x32xf32>
    %mul3A_150 = arith.mulf %get3A_147, %mul3A_149 : vector<1x32xf32>
    %iota3A = tpu.iota {dimensions = array<i32: 0>} : vector<32x32xi32>
    %iota3A_151 = tpu.iota {dimensions = array<i32: 1>} : vector<32x32xi32>
    %eq3A = arith.cmpi eq, %iota3A, %iota3A_151 : vector<32x32xi32>
    %jit3A_152 = arith.constant 1.000000e+00 : f32
    %jit3A_153 = arith.constant 0.000000e+00 : f32
    %broadcast_in_dim3A_154 = vector.broadcast %jit3A_152 : f32 to vector<32x32xf32>
    %broadcast_in_dim3A_155 = vector.broadcast %jit3A_153 : f32 to vector<32x32xf32>
    %select_n3A_156 = arith.select %eq3A, %broadcast_in_dim3A_154, %broadcast_in_dim3A_155 : vector<32x32xi1>, vector<32x32xf32>
    %mul3A_157 = vector.broadcast %mul3A_150 : vector<1x32xf32> to vector<32x32xf32>
    %mul3A_158 = arith.mulf %select_n3A_156, %mul3A_157 : vector<32x32xf32>
    %dot_general3A_159 = arith.constant dense<0.000000e+00> : vector<32x16xf32>
    %dot_general3A_160 = tpu.matmul %mul3A_158, %get3A_144, %dot_general3A_159 {dimension_numbers = #tpu.dot_dimension_numbers<[1], [0], [0], [1], [0, 0, 1, 1], [], []>, precision = #tpu.contract_precision<fp32>, transpose_lhs_hint = false} : vector<32x32xf32>, vector<32x16xf32>, vector<32x16xf32> -> vector<32x16xf32>
    %get3A_161 = arith.constant 0 : index
    %get3A_162 = arith.constant 0 : index
    %get3A_163 = vector.load %arg23[%get3A_161, %get3A_162] : memref<1x32xf32, #tpu.memory_space<vmem>>, vector<1x32xf32>
    %dot_general3A_164 = arith.constant dense<0.000000e+00> : vector<1x16xf32>
    %dot_general3A_165 = tpu.matmul %get3A_163, %get3A_144, %dot_general3A_164 {dimension_numbers = #tpu.dot_dimension_numbers<[1], [0], [0], [1], [0, 0, 1, 1], [], []>, precision = #tpu.contract_precision<fp32>, transpose_lhs_hint = false} : vector<1x32xf32>, vector<32x16xf32>, vector<1x16xf32> -> vector<1x16xf32>
    %get3A_166 = arith.constant 0 : index
    %get3A_167 = arith.constant 0 : index
    %get3A_168 = vector.load %arg25[%get3A_166, %get3A_167] : memref<1x16xf32, #tpu.memory_space<vmem>>, vector<1x16xf32>
    %add3A_169 = arith.addf %dot_general3A_165, %get3A_168 : vector<1x16xf32>
    %concatenate3A_170 = tpu.concatenate %dot_general3A_160, %add3A_169 in 0 : vector<32x16xf32>, vector<1x16xf32> -> vector<33x16xf32>
    %broadcast_in_dim3A_171 = vector.shape_cast %dot_general3A_123 : vector<32x11xf32> to vector<32x11x1xf32>
    %broadcast_in_dim3A_172 = vector.shape_cast %concatenate3A_141 : vector<32x128xf32> to vector<32x1x128xf32>
    %add3A_173 = vector.broadcast %broadcast_in_dim3A_171 : vector<32x11x1xf32> to vector<32x11x128xf32>
    %add3A_174 = vector.broadcast %broadcast_in_dim3A_172 : vector<32x1x128xf32> to vector<32x11x128xf32>
    %add3A_175 = arith.addf %add3A_173, %add3A_174 : vector<32x11x128xf32>
    %max3A = arith.constant 0.000000e+00 : f32
    %max3A_176 = vector.broadcast %max3A : f32 to vector<32x11x128xf32>
    %max3A_177 = arith.maximumf %add3A_175, %max3A_176 : vector<32x11x128xf32>
    %reshape3A = vector.shape_cast %max3A_177 : vector<32x11x128xf32> to vector<32x1408xf32>
    %broadcast_in_dim3A_178 = arith.constant 1.000000e+00 : f32
    %broadcast_in_dim3A_179 = vector.broadcast %broadcast_in_dim3A_178 : f32 to vector<1x1408xf32>
    %concatenate3A_180 = tpu.concatenate %reshape3A, %broadcast_in_dim3A_179 in 0 : vector<32x1408xf32>, vector<1x1408xf32> -> vector<33x1408xf32>
    %dot_general3A_181 = arith.constant dense<0.000000e+00> : vector<16x1408xf32>
    %dot_general3A_182 = tpu.matmul %concatenate3A_170, %concatenate3A_180, %dot_general3A_181 {dimension_numbers = #tpu.dot_dimension_numbers<[0], [0], [1], [1], [0, 1, 1, 1], [], []>, precision = #tpu.contract_precision<fp32>, transpose_lhs_hint = false} : vector<33x16xf32>, vector<33x1408xf32>, vector<16x1408xf32> -> vector<16x1408xf32>
    %max3A_183 = arith.constant 0.000000e+00 : f32
    %max3A_184 = vector.broadcast %max3A_183 : f32 to vector<16x1408xf32>
    %max3A_185 = arith.maximumf %dot_general3A_182, %max3A_184 : vector<16x1408xf32>
    %swap3A_186 = arith.constant 0 : index
    %swap3A_187 = arith.constant 0 : index
    %swap3A_188 = vector.load %arg13[%swap3A_186, %swap3A_187] : memref<16x1408xf32, #tpu.memory_space<vmem>>, vector<16x1408xf32>
    tpu.vector_store %arg13[%swap3A_186, %swap3A_187], %max3A_185 {strides = array<i32>} : memref<16x1408xf32, #tpu.memory_space<vmem>>, vector<16x1408xf32>,
    return
  }
}

</mosaic_0001>

<sc_bundles>
// kernel: kernel.4.cloned.1.call-start
scs
__scs_entry_jumppad:
0x0: {  	(pc) =	sbr.rel $0x88, $3  }
0x1: {  	(tag) =	ssettag $0x0;
	lr =	simm.s32 $0x1  }
0x2: {  	[smem:$0x3F95] =	sst lr;
	_ =	strace $0xD0000000  }
0x3: {  	_ = 	snop  }
0x4: {  	_ = 	snop  }
0x5: {  	_ = 	snop  }
0x6: {  	_ = 	snop  }
0x7: {  	_ = 	snop  }
__scs_overlays_trampoline_lowered:
0x8: {  	[smem:$0x3FA4] =	sst s0  }
0x9: {  	[smem:$0x3FA5] =	sst s1  }
0xa: {  	[smem:$0x3FA6] =	sst s2  }
0xb: {  	[smem:$0x3FA7] =	sst s3  }
0xc: {  	[smem:$0x3FA8] =	sst s4  }
0xd: {  	[smem:$0x3FA9] =	sst s5  }
0xe: {  	[smem:$0x3FAA] =	sst s6  }
0xf: {  	[smem:$0x3FAB] =	sst s7  }
0x10: {  	[smem:$0x3FAC] =	sst s8  }
0x11: {  	[smem:$0x3FAD] =	sst s9;
	s0 =	simm.s32 @!p0 $0x0  }
0x12: {  	s1 =	sld [smem:$0x3F93];
	s0 =	simm.s32 @p0 $0x1  }
0x13: {  	[smem:$0x3FAE] =	sst s0;
	s0 =	simm.s32 @!p1 $0x0  }
0x14: {  	s2 =	sld [smem:$0x3F92];
	s0 =	simm.s32 @p1 $0x1  }
0x15: {  	[smem:$0x3FAF] =	sst s0;
	s0 =	simm.s32 @!p2 $0x0  }
0x16: {  	s3 =	sld [smem:$0x3FDB];
	s0 =	simm.s32 @p2 $0x1  }
0x17: {  	s4 =	simm.s32 $0x1BF5;
	[smem:$0x3FB1] =	sst s0  }
0x18: {  	s0 =	sld [smem:$0x3F94];
	_ =	swait.ge [sflag:s4], $0x0  }
0x19: {  	s7 =	sld [smem:$0x3F95]  }
0x1a: {  	s8 =	sadd.s32 $0xFFFFE003, lr  }
0x1b: {  	s9 =	sadd.s32 $0xFFFFFEF7, lr;
	s5 =	simm.s32 $0xFFFFFFFF;
	p2 =	slt.u32 s8, $0xFFFFF086  }
0x1c: {  	p1 =	slt.u32 s9, $0xF7A;
	s5 =	simm.s32 @!p2 $0x0  }
0x1d: {  	s5 =	simm.s32 @p1 $0x1;
	p0 =	seq.s32 s7, s2  }
0x1e: {  	s7 =	smul.u32 @!p0 $0xF7A, s2;
	p2 =	seq.s32 @!p0 s5, $0x0  }
0x1f: {  	s9 =	smul.u32 $0xF7A, s1;
	s8 =	simm.s32 @!p0 $0x1BF5;
	p2 =	por !p2, p0  }
0x20: {  	[sflag:s8] =	ssyncset.s32 @!p0 $0xFFFFF086;
	s6 =	sadd.s32 @!p0 s3, s7;
	s7 =	simm.s32 @!p0 $0x108  }
0x21: {  	s3 =	sadd.s32 s3, s9;
	s6 =	sadd.s32 @!p0 $0x88, s6;
	s7 =	simm.s32 @p2 $0x1082  }
0x22: {  	[simem:s7], [sflag:s8] =	dma.local @!p0 [hbm:s6], $0xF7A  }
0x23: {  	s9 =	sor.u32 $0xD0000000, s2;
	s6 =	simm.s32 $0x108;
	_ =	swait.ge @!p0 [sflag:s8], $0x0  }
0x24: {  	s3 =	sadd.s32 $0x88, s3;
	s6 =	simm.s32 @!p1 $0x1082;
	[sflag:s4] =	ssyncset.s32 $0xFFFFF086  }
0x25: {  	[simem:s6], [sflag:s4] =	dma.local [hbm:s3], $0xF7A  }
0x26: {  	[smem:$0x3F95] =	sst s1;
	(tag) =	ssettag s2;
	_ =	strace s9  }
0x27: {  	s1 =	sld [smem:$0x3FA5]  }
0x28: {  	s2 =	sld [smem:$0x3FA6]  }
0x29: {  	s4 =	sld [smem:$0x3FA8]  }
0x2a: {  	p0 =	seq.s32 s5, $0x0;
	s5 =	sld [smem:$0x3FA9]  }
0x2b: {  	s6 =	sld [smem:$0x3FAA]  }
0x2c: {  	s7 =	sld [smem:$0x3FAB]  }
0x2d: {  	s3 =	simm.s32 $0x108;
	s8 =	sld [smem:$0x3FAC]  }
0x2e: {  	s3 =	simm.s32 @!p0 $0x1082;
	s9 =	sld [smem:$0x3FAD]  }
0x2f: {  	lr =	sadd.s32 s0, s3;
	s0 =	sld [smem:$0x3FA4]  }
0x30: {  	s3 =	sld [smem:$0x3FA7]  }
0x31: {  	[smem:$0x3FB0] =	sst s10  }
0x32: {  	s10 =	sld [smem:$0x3FAE];
	_ =	sdelay $0x3  }
0x33: {  	p0 =	seq.s32 s10, $0x1;
	s10 =	sld [smem:$0x3FB0];
	_ =	sdelay $0x3  }
0x34: {  	[smem:$0x3FB0] =	sst s10  }
0x35: {  	s10 =	sld [smem:$0x3FAF];
	_ =	sdelay $0x3  }
0x36: {  	p1 =	seq.s32 s10, $0x1;
	s10 =	sld [smem:$0x3FB0];
	_ =	sdelay $0x3  }
0x37: {  	[smem:$0x3FB0] =	sst s10  }
0x38: {  	s10 =	sld [smem:$0x3FB1]  }
0x39: {  	_ = 	snop;
	(pc) =	sbr.ind lr, $3  }
0x3a: {  	_ = 	snop  }
0x3b: {  	_ = 	snop  }
0x3c: {  	p2 =	seq.s32 s10, $0x1;
	s10 =	sld [smem:$0x3FB0]  }
0x3d: {  	_ =	shalt  }
0x3e: {  	_ =	shalt  }
0x3f: {  	_ =	shalt  }
0x40: {  	_ =	shalt  }
0x41: {  	_ =	shalt  }
0x42: {  	_ =	shalt  }
0x43: {  	_ =	shalt  }
0x44: {  	_ =	shalt  }
0x45: {  	_ =	shalt  }
0x46: {  	_ =	shalt  }
0x47: {  	_ =	shalt  }
0x48: {  	_ =	shalt  }
0x49: {  	_ =	shalt  }
0x4a: {  	_ =	shalt  }
0x4b: {  	_ =	shalt  }
0x4c: {  	_ =	shalt  }
0x4d: {  	_ =	shalt  }
0x4e: {  	_ =	shalt  }
0x4f: {  	_ =	shalt  }
0x50: {  	_ =	shalt  }
0x51: {  	_ =	shalt  }
0x52: {  	_ =	shalt  }
0x53: {  	_ =	shalt  }
0x54: {  	_ =	shalt  }
0x55: {  	_ =	shalt  }
0x56: {  	_ =	shalt  }
0x57: {  	_ =	shalt  }
0x58: {  	_ =	shalt  }
0x59: {  	_ =	shalt  }
0x5a: {  	_ =	shalt  }
0x5b: {  	_ =	shalt  }
0x5c: {  	_ =	shalt  }
0x5d: {  	_ =	shalt  }
0x5e: {  	_ =	shalt  }
0x5f: {  	_ =	shalt  }
0x60: {  	_ =	shalt  }
0x61: {  	_ =	shalt  }
0x62: {  	_ =	shalt  }
0x63: {  	_ =	shalt  }
0x64: {  	_ =	shalt  }
0x65: {  	_ =	shalt  }
0x66: {  	_ =	shalt  }
0x67: {  	_ =	shalt  }
0x68: {  	_ =	shalt  }
0x69: {  	_ =	shalt  }
0x6a: {  	_ =	shalt  }
0x6b: {  	_ =	shalt  }
0x6c: {  	_ =	shalt  }
0x6d: {  	_ =	shalt  }
0x6e: {  	_ =	shalt  }
0x6f: {  	_ =	shalt  }
0x70: {  	_ =	shalt  }
0x71: {  	_ =	shalt  }
0x72: {  	_ =	shalt  }
0x73: {  	_ =	shalt  }
0x74: {  	_ =	shalt  }
0x75: {  	_ =	shalt  }
0x76: {  	_ =	shalt  }
0x77: {  	_ =	shalt  }
0x78: {  	_ =	shalt  }
0x79: {  	_ =	shalt  }
0x7a: {  	_ =	shalt  }
0x7b: {  	_ =	shalt  }
0x7c: {  	_ =	shalt  }
0x7d: {  	_ =	shalt  }
0x7e: {  	_ =	shalt  }
0x7f: {  	_ =	shalt  }
0x80: {  	_ =	shalt  }
0x81: {  	_ =	shalt  }
0x82: {  	_ =	shalt  }
0x83: {  	_ =	shalt  }
0x84: {  	_ =	shalt  }
0x85: {  	_ =	shalt  }
0x86: {  	_ =	shalt  }
0x87: {  	_ =	shalt  }
.Lfunc_end0:
.L_simem_size_0:
called_computation_lowered:
.L_overlay_start_0:
0x88: {  	s2 =	sld [smem:$0x3FD9]  }
0x89: {  	s3 =	sld [smem:$0x3FFE];
	_ =	sdelay $0x1  }
0x8a: {  	s1 =	srdreg.scid  }
0x8b: {  	s0 =	sand.u32 $0x1, s1  }
0x8c: {  	s17 =	sshll.u32 s0, $0xA;
	s2 =	sadd.s32 s3, s2  }
0x8d: {  	s2 =	sadd.s32 s2, s17  }
0x8e: {  	[smem:$0x3FBC] =	sst s2  }
0x8f: {  	_ = 	snop  }
0x90: {  	s2 =	sld [smem:$0x3FD0];
	(tm) =	ssettm $0x1  }
0x91: {  	s18 =	sld [smem:$0x3FFB];
	_ =	sdelay $0x3  }
0x92: {  	_ =	strace s18  }
0x93: {  	s3 =	sld [smem:$0x3FFC];
	_ =	sdelay $0x3  }
0x94: {  	_ =	strace s3  }
0x95: {  	s3 =	sld [smem:$0x3FFD];
	_ =	sdelay $0x3  }
0x96: {  	_ =	strace s3  }
0x97: {  	_ =	strace $0x8FFFFFFF  }
0x98: {  	s19 =	sld [smem:$0x3FDB];
	_ =	sdelay $0x1  }
0x99: {  	s4 =	simm.s32 $_scs_section_size  }
0x9a: {  	s5 =	simm.s32 $_size__tile_overlayer_lowered;
	s6 =	simm.s32 $_tile_overlayer_lowered  }
0x9b: {  	s22 =	simm.s32 $0x1BFF;
	s21 =	sshll.u32 s6, $0x1;
	s3 =	sadd.s32 s4, s19  }
0x9c: {  	s7 =	simm.s32 $0x0;
	s20 =	sshll.u32 s5, $0x1;
	s5 =	sadd.s32 s21, s3  }
0x9d: {  	[timem:s7], [sflag:s22] =	dma.local [hbm:s5], s20  }
0x9e: {  	_ =	swait.ge [sflag:s22], s20  }
0x9f: {  	s4 =	ssub.s32 $0x0, s20;
	[sflag:s22] =	ssyncset.done $0x0  }
0xa0: {  	[sflag:s22] =	ssyncadd.s32 s4;
	_ =	sdelay $0x1  }
0xa1: {  	s23 =	simm.s32 $0x1B8B  }
0xa2: {  	_ =	swait.ge [sflag:s23], $0x1  }
0xa3: {  	[sflag:s23] =	ssyncset.done $0x0  }
0xa4: {  	s25 =	simm.s32 $0x1B8E;
	s24 =	sld [smem:$0x3FFE];
	[sflag:s23] =	ssyncadd.s32 $0xFFFFFFFF  }
0xa5: {  	s26 =	simm.s32 $execute0_lowered;
	[smem:$0x3FD2] =	sst s25  }
0xa6: {  	s5 =	sshll.u32 s26, $0x1;
	_ =	strace $0x80000046;
	[dreg:$0x1] =	wrdreg $0xFFFFFFFF  }
0xa7: {  	s28 =	simm.s32 $_size_execute0_lowered;
	s3 =	sadd.s32 s3, s5;
	[dreg:$0x0] =	wrdreg $0x0  }
0xa8: {  	s5 =	sshll.u32 s28, $0x1;
	[dreg:$0x2] =	wrdreg s3  }
0xa9: {  	[dreg:$0x3] =	wrdreg s5  }
0xaa: {  	[dreg:$0x4] =	wrdreg $0xC0  }
0xab: {  	_ =	task [dreg:s7], $0x5FFFF  }
0xac: {  	[dreg:$0x1] =	wrdreg $0xFFFFFFFF  }
0xad: {  	[dreg:$0x0] =	wrdreg $0x60  }
0xae: {  	[dreg:$0x2] =	wrdreg s24  }
0xaf: {  	[dreg:$0x3] =	wrdreg s2  }
0xb0: {  	[dreg:$0x4] =	wrdreg $0x9  }
0xb1: {  	_ =	task.clear_ibuf [dreg:s7], $0x5FFFF;
	_ =	strace $0x90000046  }
0xb2: {  	s29 =	simm.s32 $0x9;
	_ =	strace $0x80000048  }
0xb3: {  	_ =	swait.ge [sflag:s29], $0x1  }
0xb4: {  	[sflag:s29] =	ssyncadd.s32 $0xFFFFFFFF  }
0xb5: {  	_ =	strace $0x90000048  }
0xb6: {  	_ =	sfence  }
0xb7: {  	s30 =	sld [smem:$0x0];
	_ =	sdelay $0x2  }
0xb8: {  	s31 =	sshll.u32 s1, $0xD;
	s1 =	sshrl.u32 s1, $0x2  }
0xb9: {  	s3 =	sand.u32 $0x4000, s31;
	s1 =	sadd.s32 s1, s30  }
0xba: {  	s0 =	sor.u32 s3, s0;
	s1 =	sshll.u32 s1, $0x11  }
0xbb: {  	s0 =	sor.u32 s1, s0  }
0xbc: {  	s0 =	sadd.s32 $0x8F2B, s0  }
0xbd: {  	[sflag:s0] =	ssyncadd.remote.s32 $0x1  }
0xbe: {  	_ =	sfence.sel $0xFFFF  }
0xbf: {  	[dreg:$0x0] =	wrdreg $0xFFFFFFFF;
	(pc) =	sbr.abs _section_cstart, $3  }
0xc0: {  	[dreg:$0x1] =	wrdreg $0xFFFFFFFF  }
0xc1: {  	_ =	task.clear_ibuf [dreg:s7], $0x2FFFF;
	_ =	strace $0x9FFFFFFF  }
0xc2: {  	(tm) =	ssettm $0x7FFFFFFF  }
0xc3: {  	_ =	shalt  }
tec
execute0_lowered:
.L_overlay_start_1:
0x0: {  	(tag) =	ssettag $0x1  }
0x1: {  	s3 =	rddreg [dreg:$0x0]  }
0x2: {  	s5 =	rddreg [dreg:$0x1]  }
0x3: {  	s0 =	rddreg [dreg:$0x2]  }
0x4: {  	s2 =	simm.s32 $0x0;
	s1 =	stileid.u32;
	s7 =	srdreg.scid  }
0x5: {  	s12 =	simm.s32 $0x2580;
	s13 =	simm.s32 $0x3;
	s14 =	simm.s32 $0x0  }
0x6: {  	[smem:$0x7FF] =	sst s2;
	s4 =	sshrl.u32 s1, $0x3;
	s8 =	sshrl.u32 s1, $0x2  }
0x7: {  	s7 =	sand.u32 $0x1, s7;
	s9 =	sshll.u32 s1, $0x8;
	_ =	strace $0x80000047  }
0x8: {  	s6 =	sshll.u32 s4, $0xA;
	s8 =	sand.u32 $0x1, s8;
	s10 =	sshll.u32 s7, $0x7  }
0x9: {  	s9 =	sand.u32 $0x300, s9;
	s4 =	sshll.u32 s4, $0x10;
	s7 =	ssub.s32 $0x2, s7  }
0xa: {  	s6 =	sadd.s32 s6, s3;
	s11 =	smul.u32 $0x2C00, s8;
	s8 =	sshll.u32 s8, $0x11  }
0xb: {  	s9 =	sor.u32 s10, s9;
	s30 =	sshrl.u32 s7, $0x1;
	s4 =	sor.u32 s4, s8  }
0xc: {  	s7 =	ssub.s32 s7, s30;
	s8 =	simm.s32 $0x400;
	s10 =	sor.u32 s9, s11  }
0xd: {  	s4 =	sor.u32 s9, s4;
	s9 =	simm.s32 $0x2000;
	s11 =	simm.s32 $0x2  }
0xe: {  	s29 =	sshrl.u32 s10, $0x3;
	s31 =	sshrl.u32 s4, $0x3;
	s4 =	sadd.s32 $0x2800, s6  }
0xf: {  	s6 =	smax.u32 s7, $0x1;
	s7 =	simm.s32 $0x80;
	s3 =	sadd.s32 s29, s3  }
0x10: {  	s10 =	simm.s32 $0x1;
	s5 =	sadd.s32 s5, s31;
	s3 =	sadd.s32 $0x1C00, s3  }
.LBB2_1:
0x11: {  	[tilespmem:s9], [sflag:$0x2] =	stream.strided.gather [hbm4b:s3+s7], $0x580, s8, s7, $0x38;
	[tilespmem:$0x4580] =	vst v63  }
0x12: {  	_ = 	snop  }
0x13: {  	[tilespmem:s2], [sflag:$0x1] =	stream.linear.gather [hbm4b:s4+s2], $0x2000, $0x38;
	[tilespmem:$0x4580] =	vst v63  }
0x14: {  	_ =	swait.ge [sflag:s10], $0x2000  }
0x15: {  	[sflag:s10] =	ssyncset.done $0x0  }
0x16: {  	[sflag:s10] =	ssyncadd.s32 $0xFFFFE000  }
0x17: {  	_ =	swait.ge [sflag:s11], $0x580  }
0x18: {  	[sflag:s11] =	ssyncset.done $0x0  }
0x19: {  	s15 =	simm.s32 $0x0;
	[sflag:s11] =	ssyncadd.s32 $0xFFFFFA80  }
0x1a: {  	v0 =	vld [tilespmem:s15+$0x0];
	_ =	sdelay $0x5  }
0x1b: {  	v1 =	vld [tilespmem:s15+$0x10];
	_ =	sdelay $0x1  }
0x1c: {  	v0 =	vld.idx.msk [tilespmem:v0+s9+$0x0], $0xffff;
	_ =	sdelay $0x4  }
0x1d: {  	[tilespmem:s15+$0x2580] =	vst v0;
	v0 =	vld [tilespmem:s15+$0x20]  }
0x1e: {  	v1 =	vld.idx.msk [tilespmem:v1+s9+$0x0], $0xffff;
	_ =	sdelay $0x4  }
0x1f: {  	[tilespmem:s15+$0x2590] =	vst v1;
	v1 =	vld [tilespmem:s15+$0x30];
	_ =	sdelay $0x1  }
0x20: {  	v0 =	vld.idx.msk [tilespmem:v0+s9+$0x0], $0xffff;
	_ =	sdelay $0x4  }
0x21: {  	[tilespmem:s15+$0x25A0] =	vst v0;
	v0 =	vld [tilespmem:s15+$0x40]  }
0x22: {  	v1 =	vld.idx.msk [tilespmem:v1+s9+$0x0], $0xffff;
	_ =	sdelay $0x4  }
0x23: {  	[tilespmem:s15+$0x25B0] =	vst v1;
	v1 =	vld [tilespmem:s15+$0x50];
	_ =	sdelay $0x1  }
0x24: {  	v0 =	vld.idx.msk [tilespmem:v0+s9+$0x0], $0xffff;
	_ =	sdelay $0x4  }
0x25: {  	v2 =	vld [tilespmem:s15+$0x60];
	[tilespmem:s15+$0x25C0] =	vst v0  }
0x26: {  	v0 =	vld.idx.msk [tilespmem:v1+s9+$0x0], $0xffff;
	_ =	sdelay $0x4  }
0x27: {  	[tilespmem:s15+$0x25D0] =	vst v0;
	v0 =	vld [tilespmem:s15+$0x70];
	_ =	sdelay $0x1  }
0x28: {  	v1 =	vld.idx.msk [tilespmem:v2+s9+$0x0], $0xffff;
	_ =	sdelay $0x3  }
0x29: {  	s17 =	simm.s32 $0x80;
	s16 =	simm.s32 $0x400  }
.LBB2_2:
0x2a: {  	p0 =	sne.s32 s16, $0x7E00;
	v2 =	vld [tilespmem:s17+$0x0];
	[tilespmem:s15+$0x25E0] =	vst v1  }
0x2b: {  	v0 =	vld.idx.msk [tilespmem:v0+s9+$0x0], $0xffff;
	_ =	sdelay $0x5  }
0x2c: {  	v1 =	vld [tilespmem:s17+$0x10];
	[tilespmem:s15+$0x25F0] =	vst v0;
	s15 =	smov.u32 s17  }
0x2d: {  	v0 =	vld.idx.msk [tilespmem:v2+s9+$0x0], $0xffff;
	_ =	sdelay $0x5  }
0x2e: {  	[tilespmem:s15+$0x2580] =	vst v0;
	v0 =	vld [tilespmem:s15+$0x20]  }
0x2f: {  	v1 =	vld.idx.msk [tilespmem:v1+s9+$0x0], $0xffff;
	_ =	sdelay $0x5  }
0x30: {  	[tilespmem:s15+$0x2590] =	vst v1;
	v1 =	vld [tilespmem:s15+$0x30]  }
0x31: {  	v0 =	vld.idx.msk [tilespmem:v0+s9+$0x0], $0xffff;
	_ =	sdelay $0x5  }
0x32: {  	[tilespmem:s15+$0x25A0] =	vst v0;
	v0 =	vld [tilespmem:s15+$0x40]  }
0x33: {  	v1 =	vld.idx.msk [tilespmem:v1+s9+$0x0], $0xffff;
	_ =	sdelay $0x5  }
0x34: {  	[tilespmem:s15+$0x25B0] =	vst v1;
	v1 =	vld [tilespmem:s15+$0x50]  }
0x35: {  	v0 =	vld.idx.msk [tilespmem:v0+s9+$0x0], $0xffff;
	_ =	sdelay $0x5  }
0x36: {  	[tilespmem:s15+$0x25C0] =	vst v0;
	v2 =	vld [tilespmem:s15+$0x60]  }
0x37: {  	v0 =	vld.idx.msk [tilespmem:v1+s9+$0x0], $0xffff;
	_ =	sdelay $0x5  }
0x38: {  	[tilespmem:s15+$0x25D0] =	vst v0;
	v0 =	vld [tilespmem:s15+$0x70]  }
0x39: {  	v1 =	vld.idx.msk [tilespmem:v2+s9+$0x0], $0xffff  }
.Ltmp0:
0x3a: {  	(pc) =	sbr.rel @p0 .LBB2_2-.Ltmp0, $2  }
0x3b: {  	_ =	sdelay $0x2  }
0x3c: {  	s17 =	sshra.s32 s16, $0x2;
	s16 =	sadd.s32 $0x200, s16  }
0x3d: {  	_ =	sdelay $0x1  }
0x3e: {  	v2 =	vld [tilespmem:s17+$0x0]  }
0x3f: {  	[tilespmem:s15+$0x25E0] =	vst v1  }
0x40: {  	v0 =	vld.idx.msk [tilespmem:v0+s9+$0x0], $0xffff;
	_ =	sdelay $0x3  }
0x41: {  	v1 =	vld [tilespmem:s17+$0x10]  }
0x42: {  	[tilespmem:s15+$0x25F0] =	vst v0  }
0x43: {  	v0 =	vld.idx.msk [tilespmem:v2+s9+$0x0], $0xffff;
	_ =	sdelay $0x3  }
0x44: {  	v58 =	vld [tilespmem:s17+$0x20]  }
0x45: {  	[tilespmem:s17+$0x2580] =	vst v0  }
0x46: {  	v1 =	vld.idx.msk [tilespmem:v1+s9+$0x0], $0xffff;
	_ =	sdelay $0x3  }
0x47: {  	v59 =	vld [tilespmem:s17+$0x30]  }
0x48: {  	[tilespmem:s17+$0x2590] =	vst v1  }
0x49: {  	v0 =	vld.idx.msk [tilespmem:v58+s9+$0x0], $0xffff;
	_ =	sdelay $0x3  }
0x4a: {  	v60 =	vld [tilespmem:s17+$0x40]  }
0x4b: {  	[tilespmem:s17+$0x25A0] =	vst v0  }
0x4c: {  	v1 =	vld.idx.msk [tilespmem:v59+s9+$0x0], $0xffff;
	_ =	sdelay $0x3  }
0x4d: {  	v61 =	vld [tilespmem:s17+$0x50]  }
0x4e: {  	[tilespmem:s17+$0x25B0] =	vst v1  }
0x4f: {  	v0 =	vld.idx.msk [tilespmem:v60+s9+$0x0], $0xffff;
	_ =	sdelay $0x3  }
0x50: {  	v62 =	vld [tilespmem:s17+$0x60]  }
0x51: {  	[tilespmem:s17+$0x25C0] =	vst v0  }
0x52: {  	v1 =	vld.idx.msk [tilespmem:v61+s9+$0x0], $0xffff;
	_ =	sdelay $0x3  }
0x53: {  	v63 =	vld [tilespmem:s17+$0x70]  }
0x54: {  	[tilespmem:s17+$0x25D0] =	vst v1  }
0x55: {  	v0 =	vld.idx.msk [tilespmem:v62+s9+$0x0], $0xffff;
	_ =	sdelay $0x4  }
0x56: {  	[tilespmem:s17+$0x25E0] =	vst v0  }
0x57: {  	v0 =	vld.idx.msk [tilespmem:v63+s9+$0x0], $0xffff;
	_ =	sdelay $0x2  }
0x58: {  	s14 =	sadd.s32 $0x1, s14  }
0x59: {  	p0 =	sne.s32 s14, s6  }
.Ltmp1:
0x5a: {  	[tilespmem:s17+$0x25F0] =	vst v0;
	(pc) =	sbr.rel @p0 .LBB2_1-.Ltmp1, $4  }
0x5b: {  	[hbm4b:s5+s7] =	stream.strided.scatter [tilespmem:s12], [sflag:$0x3], $0x2000, s8, s7, $0x38;
	[tilespmem:$0x4580] =	vst v63  }
0x5c: {  	_ =	swait.ge [sflag:s13], $0x2000  }
0x5d: {  	[sflag:s13] =	ssyncset.done $0x0  }
0x5e: {  	[sflag:s13] =	ssyncadd.s32 $0xFFFFE000  }
0x5f: {  	_ =	sfence.sel $0x180000  }
0x60: {  	[bflag:$0x0] =	sbarrier.arrive $0xFFFF  }
0x61: {  	p0 =	sne.s32 s1, $0x0;
	_ =	strace $0x90000047  }
0x62: {  	s0 =	sadd.s32 @!p0 $0x100000, s0;
	[bflag:$0x2] =	sbarrier.arrive $0xFFFF  }
0x63: {  	[sflag:s0] =	ssyncadd.tile.s32 @!p0 $0x1;
	_ =	shalt  }
.Lfunc_end2:
_tile_overlayer_lowered:
.L_overlay_start_2:
0x64: {  	(tag) =	ssettag $0x2  }
0x65: {  	s0 =	rddreg [dreg:$0x0];
	s2 =	stileid.u32  }
0x66: {  	s1 =	rddreg [dreg:$0x1];
	p0 =	sne.s32 s2, $0x0  }
0x67: {  	s3 =	rddreg [dreg:$0x2];
	[bflag:$0x3] =	sbarrier.arrive $0xFFFF;
	s2 =	simm.s32 @!p0 $0x1C03  }
0x68: {  	[timem:s3], [sflag:s2] =	dma.local @!p0 [hbm:s0], s1  }
0x69: {  	s0 =	simm.s32 @!p0 $0x3  }
0x6a: {  	_ =	swait.ge @!p0 [sflag:s0], s1  }
0x6b: {  	s1 =	ssub.s32 @!p0 $0x0, s1;
	[sflag:s0] =	ssyncset.done @!p0 $0x0  }
0x6c: {  	[sflag:s0] =	ssyncadd.s32 @!p0 s1  }
0x6d: {  	[bflag:$0x3] =	sbarrier.arrive $0xFFFF  }
0x6e: {  	_ =	shalt  }

</sc_bundles>
